<compile_context>
chip_gen: v7x
topology: tpu7x:2x2x1
jax: 0.10.2.dev20260603
libtpu: 0.0.44.dev20260713+nightly
codegen_flags: <defaults>
</compile_context>

<pallas_src>
import functools
import jax
import jax.numpy as jnp
from jax import lax
from jax.experimental import pallas as pl
from jax.experimental.pallas import tpu as pltpu
from jax.experimental.pallas import tpu_sc as plsc

B, L, D = 16384, 200, 16
LP = 208
NC, NS = 2, 16
NW = NC * NS
R = B // NW
CR = 8
NCH = R // CR


def _body(x_hbm, m_hbm, out_hbm, spbuf, xbuf, obuf, sems):
    cid = lax.axis_index("c")
    sid = lax.axis_index("s")
    wid = sid * NC + cid
    base = wid * R

    def start(c, slot):
        row0 = base + c * CR
        pltpu.async_copy(x_hbm.at[pl.ds(row0, CR)], spbuf.at[sid, slot],
                         sems.at[slot])

    def wait(c, slot):
        row0 = base + c * CR
        pltpu.make_async_copy(x_hbm.at[pl.ds(row0, CR)],
                              spbuf.at[sid, slot], sems.at[slot]).wait()

    start(0, 0)
    start(1, 1)

    def process(c, slot):
        wait(c, slot)
        pltpu.sync_copy(spbuf.at[sid, slot], xbuf)

        @pl.when(c + 2 < NCH)
        def _():
            start(c + 2, slot)

    def two_chunks(cp, _):
        process(2 * cp, 0)
        process(2 * cp + 1, 1)
        return 0

    lax.fori_loop(0, NCH // 2, two_chunks, 0)
    obuf[:] = xbuf[0, 0, :]
    pltpu.sync_copy(obuf, out_hbm.at[wid])


@jax.jit
def _run(x3d, mpad):
    mesh = plsc.VectorSubcoreMesh(core_axis_name="c", subcore_axis_name="s")
    fn = functools.partial(
        pl.kernel,
        out_type=jax.ShapeDtypeStruct((B, D), jnp.float32),
        mesh=mesh,
        compiler_params=pltpu.CompilerParams(use_tc_tiling_on_sc=False,
                                             needs_layout_passes=False),
        scratch_types=[
            pltpu.VMEM_SHARED((NS, 2, CR, L, D), jnp.float32),
            pltpu.VMEM((CR, L, D), jnp.float32),
            pltpu.VMEM((D,), jnp.float32),
            pltpu.SemaphoreType.DMA((2,)),
        ],
    )(_body)
    return fn(x3d, mpad)


def kernel(inputs, mask):
    maskf = jnp.pad(mask.astype(jnp.float32), ((0, 0), (0, LP - L)))
    return _run(inputs, maskf)

# --- scband reference (transcript-rebuilt; emitter-appended) ---
"""Pipeline reference for scband-masked-embeddings-aggregator-layer-17678085390900 (READ-ONLY COPY).

The authoritative reference and input builder live on the scoring server;
editing this copy changes nothing except your own understanding.
"""

import jax, jax.numpy as jnp
import numpy as np

B, L, D = 16384, 200, 16

def setup_inputs(seed: int = 0) -> dict:
    key = jax.random.key(seed)
    k1, k2 = jax.random.split(key)
    inputs = jax.random.normal(k1, (B, L, D), dtype=jnp.float32)
    mask = jax.random.randint(k2, (B, L), 0, 2).astype(jnp.bool_)
    return {"inputs": inputs, "mask": mask}

def reference(inputs, mask):
    # ragged.boolean_mask keeps only masked positions per row; reduce_sum over
    # the ragged axis is equivalent to summing masked embeddings per batch row.
    m = mask.astype(inputs.dtype)[:, :, None]
    aggregated = jnp.sum(inputs * m, axis=1)
    return aggregated

if __name__ == "__main__":
    import jax
    _d = setup_inputs()
    print(jax.jit(kernel)(*tuple(_d.values())))

</pallas_src>

<mosaic_0001>
#map = affine_map<(d0, d1) -> (0, 0, 0)>
#map1 = affine_map<(d0, d1) -> (0, 0)>
module attributes {stable_mosaic.version = 14 : i64} {
  func.func @_body(%arg0: i32, %arg1: i32, %arg2: memref<16384x200x16xf32, #tpu.memory_space<hbm>>, %arg3: memref<16384x208xf32, #tpu.memory_space<hbm>>, %arg4: memref<16384x16xf32, #tpu.memory_space<hbm>>, %arg5: memref<16x2x8x200x16xf32, #tpu.memory_space<vmem_shared>>, %arg6: memref<8x200x16xf32, #tpu.memory_space<vmem>>, %arg7: memref<16xf32, #tpu.memory_space<vmem>>, %arg8: memref<2x!tpu.dma_semaphore, #tpu.memory_space<semaphore_mem>>) attributes {dimension_semantics = [#tpu.dimension_semantics<core_parallel>, #tpu.dimension_semantics<subcore_parallel>], iteration_bounds = array<i64: 2, 16>, scalar_prefetch = 0 : i64, scratch_operands = 4 : i64, tpu.core_type = #tpu.core_type<sc_vector_subcore>, window_params = [{transform_indices = #map}, {transform_indices = #map1}, {transform_indices = #map1}]} {
    %mul3A = arith.constant 2 : i32
    %mul3A_0 = arith.muli %arg1, %mul3A : i32
    %add3A = arith.addi %mul3A_0, %arg0 : i32
    %mul3A_1 = arith.constant 512 : i32
    %mul3A_2 = arith.muli %add3A, %mul3A_1 : i32
    %add3A_3 = arith.constant 0 : i32
    %add3A_4 = arith.addi %mul3A_2, %add3A_3 : i32
    %dma_start3A = arith.constant 0 : i32
    %dma_start3A_5 = arith.constant 0 : i32
    %dma_start3A_6 = tpu.memref_slice %arg8[%dma_start3A_5] : memref<2x!tpu.dma_semaphore, #tpu.memory_space<semaphore_mem>> -> memref<1x!tpu.dma_semaphore, #tpu.memory_space<semaphore_mem>>
    %dma_start3A_7 = tpu.memref_squeeze %dma_start3A_6 : memref<1x!tpu.dma_semaphore, #tpu.memory_space<semaphore_mem>> -> memref<!tpu.dma_semaphore, #tpu.memory_space<semaphore_mem>>
    %dma_start3A_8 = arith.constant 0 : i32
    %dma_start3A_9 = arith.constant 0 : i32
    %dma_start3A_10 = arith.constant 0 : i32
    %dma_start3A_11 = tpu.memref_slice %arg5[%arg1, %dma_start3A, %dma_start3A_8, %dma_start3A_9, %dma_start3A_10] : memref<16x2x8x200x16xf32, #tpu.memory_space<vmem_shared>> -> memref<1x1x8x200x16xf32, #tpu.memory_space<vmem_shared>>
    %dma_start3A_12 = tpu.memref_squeeze %dma_start3A_11 : memref<1x1x8x200x16xf32, #tpu.memory_space<vmem_shared>> -> memref<8x200x16xf32, #tpu.memory_space<vmem_shared>>
    %dma_start3A_13 = arith.constant 0 : i32
    %dma_start3A_14 = arith.constant 0 : i32
    %dma_start3A_15 = tpu.memref_slice %arg2[%add3A_4, %dma_start3A_13, %dma_start3A_14] : memref<16384x200x16xf32, #tpu.memory_space<hbm>> -> memref<8x200x16xf32, #tpu.memory_space<hbm>>
    tpu.enqueue_dma source(%dma_start3A_15 : memref<8x200x16xf32, #tpu.memory_space<hbm>>) target(%dma_start3A_12 : memref<8x200x16xf32, #tpu.memory_space<vmem_shared>>) target_semaphore(%dma_start3A_7 : memref<!tpu.dma_semaphore, #tpu.memory_space<semaphore_mem>>)
    %add3A_16 = arith.constant 8 : i32
    %add3A_17 = arith.addi %mul3A_2, %add3A_16 : i32
    %dma_start3A_18 = arith.constant 1 : i32
    %dma_start3A_19 = arith.constant 1 : i32
    %dma_start3A_20 = tpu.memref_slice %arg8[%dma_start3A_19] : memref<2x!tpu.dma_semaphore, #tpu.memory_space<semaphore_mem>> -> memref<1x!tpu.dma_semaphore, #tpu.memory_space<semaphore_mem>>
    %dma_start3A_21 = tpu.memref_squeeze %dma_start3A_20 : memref<1x!tpu.dma_semaphore, #tpu.memory_space<semaphore_mem>> -> memref<!tpu.dma_semaphore, #tpu.memory_space<semaphore_mem>>
    %dma_start3A_22 = arith.constant 0 : i32
    %dma_start3A_23 = arith.constant 0 : i32
    %dma_start3A_24 = arith.constant 0 : i32
    %dma_start3A_25 = tpu.memref_slice %arg5[%arg1, %dma_start3A_18, %dma_start3A_22, %dma_start3A_23, %dma_start3A_24] : memref<16x2x8x200x16xf32, #tpu.memory_space<vmem_shared>> -> memref<1x1x8x200x16xf32, #tpu.memory_space<vmem_shared>>
    %dma_start3A_26 = tpu.memref_squeeze %dma_start3A_25 : memref<1x1x8x200x16xf32, #tpu.memory_space<vmem_shared>> -> memref<8x200x16xf32, #tpu.memory_space<vmem_shared>>
    %dma_start3A_27 = arith.constant 0 : i32
    %dma_start3A_28 = arith.constant 0 : i32
    %dma_start3A_29 = tpu.memref_slice %arg2[%add3A_17, %dma_start3A_27, %dma_start3A_28] : memref<16384x200x16xf32, #tpu.memory_space<hbm>> -> memref<8x200x16xf32, #tpu.memory_space<hbm>>
    tpu.enqueue_dma source(%dma_start3A_29 : memref<8x200x16xf32, #tpu.memory_space<hbm>>) target(%dma_start3A_26 : memref<8x200x16xf32, #tpu.memory_space<vmem_shared>>) target_semaphore(%dma_start3A_21 : memref<!tpu.dma_semaphore, #tpu.memory_space<semaphore_mem>>)
    %scan3A = arith.constant 0 : i32
    %scan3A_30 = arith.constant 0 : i32
    %scan3A_31 = arith.constant 32 : i32
    %scan3A_32 = arith.addi %scan3A_30, %scan3A_31 : i32
    %scan3A_33 = arith.constant 1 : i32
    %scan3A_34 = scf.for %scan3A_42 = %scan3A_30 to %scan3A_32 step %scan3A_33 iter_args(%scan3A_43 = %scan3A) -> (i32)  : i32 {
      %mul3A_44 = arith.constant 2 : i32
      %mul3A_45 = arith.muli %mul3A_44, %scan3A_42 : i32
      %mul3A_46 = arith.constant 8 : i32
      %mul3A_47 = arith.muli %mul3A_45, %mul3A_46 : i32
      %add3A_48 = arith.addi %mul3A_2, %mul3A_47 : i32
      %dma_wait3A = arith.constant 0 : i32
      %dma_wait3A_49 = arith.constant 0 : i32
      %dma_wait3A_50 = tpu.memref_slice %arg8[%dma_wait3A_49] : memref<2x!tpu.dma_semaphore, #tpu.memory_space<semaphore_mem>> -> memref<1x!tpu.dma_semaphore, #tpu.memory_space<semaphore_mem>>
      %dma_wait3A_51 = tpu.memref_squeeze %dma_wait3A_50 : memref<1x!tpu.dma_semaphore, #tpu.memory_space<semaphore_mem>> -> memref<!tpu.dma_semaphore, #tpu.memory_space<semaphore_mem>>
      %dma_wait3A_52 = arith.constant 0 : i32
      %dma_wait3A_53 = arith.constant 0 : i32
      %dma_wait3A_54 = arith.constant 0 : i32
      %dma_wait3A_55 = tpu.memref_slice %arg5[%arg1, %dma_wait3A, %dma_wait3A_52, %dma_wait3A_53, %dma_wait3A_54] : memref<16x2x8x200x16xf32, #tpu.memory_space<vmem_shared>> -> memref<1x1x8x200x16xf32, #tpu.memory_space<vmem_shared>>
      %dma_wait3A_56 = tpu.memref_squeeze %dma_wait3A_55 : memref<1x1x8x200x16xf32, #tpu.memory_space<vmem_shared>> -> memref<8x200x16xf32, #tpu.memory_space<vmem_shared>>
      %dma_wait3A_57 = arith.constant 0 : i32
      %dma_wait3A_58 = arith.constant 0 : i32
      %dma_wait3A_59 = tpu.memref_slice %arg2[%add3A_48, %dma_wait3A_57, %dma_wait3A_58] : memref<16384x200x16xf32, #tpu.memory_space<hbm>> -> memref<8x200x16xf32, #tpu.memory_space<hbm>>
      tpu.wait_dma2 semaphore(%dma_wait3A_51 : memref<!tpu.dma_semaphore, #tpu.memory_space<semaphore_mem>>) src(%dma_wait3A_59 : memref<8x200x16xf32, #tpu.memory_space<hbm>>) dst(%dma_wait3A_56 : memref<8x200x16xf32, #tpu.memory_space<vmem_shared>>)
      %run_scoped3A = arith.constant 0 : i32
      "tpu.region"() ({
        %run_scoped3A_92 = tpu.sem_alloc : memref<!tpu.dma_semaphore, #tpu.memory_space<semaphore_mem>>
        %dma_start3A_93 = arith.constant 0 : i32
        %dma_start3A_94 = arith.constant 0 : i32
        %dma_start3A_95 = arith.constant 0 : i32
        %dma_start3A_96 = tpu.memref_slice %arg5[%arg1, %run_scoped3A, %dma_start3A_93, %dma_start3A_94, %dma_start3A_95] : memref<16x2x8x200x16xf32, #tpu.memory_space<vmem_shared>> -> memref<1x1x8x200x16xf32, #tpu.memory_space<vmem_shared>>
        %dma_start3A_97 = tpu.memref_squeeze %dma_start3A_96 : memref<1x1x8x200x16xf32, #tpu.memory_space<vmem_shared>> -> memref<8x200x16xf32, #tpu.memory_space<vmem_shared>>
        %dma_start3A_98 = arith.constant 0 : i32
        %dma_start3A_99 = arith.constant 0 : i32
        %dma_start3A_100 = arith.constant 0 : i32
        %dma_start3A_101 = tpu.memref_slice %arg5[%arg1, %run_scoped3A, %dma_start3A_98, %dma_start3A_99, %dma_start3A_100] : memref<16x2x8x200x16xf32, #tpu.memory_space<vmem_shared>> -> memref<1x1x8x200x16xf32, #tpu.memory_space<vmem_shared>>
        %dma_start3A_102 = tpu.memref_squeeze %dma_start3A_101 : memref<1x1x8x200x16xf32, #tpu.memory_space<vmem_shared>> -> memref<8x200x16xf32, #tpu.memory_space<vmem_shared>>
        tpu.enqueue_dma source(%dma_start3A_102 : memref<8x200x16xf32, #tpu.memory_space<vmem_shared>>) target(%arg6 : memref<8x200x16xf32, #tpu.memory_space<vmem>>) target_semaphore(%run_scoped3A_92 : memref<!tpu.dma_semaphore, #tpu.memory_space<semaphore_mem>>)
        %dma_wait3A_103 = arith.constant 0 : i32
        %dma_wait3A_104 = arith.constant 0 : i32
        %dma_wait3A_105 = arith.constant 0 : i32
        %dma_wait3A_106 = tpu.memref_slice %arg5[%arg1, %run_scoped3A, %dma_wait3A_103, %dma_wait3A_104, %dma_wait3A_105] : memref<16x2x8x200x16xf32, #tpu.memory_space<vmem_shared>> -> memref<1x1x8x200x16xf32, #tpu.memory_space<vmem_shared>>
        %dma_wait3A_107 = tpu.memref_squeeze %dma_wait3A_106 : memref<1x1x8x200x16xf32, #tpu.memory_space<vmem_shared>> -> memref<8x200x16xf32, #tpu.memory_space<vmem_shared>>
        %dma_wait3A_108 = arith.constant 0 : i32
        %dma_wait3A_109 = arith.constant 0 : i32
        %dma_wait3A_110 = arith.constant 0 : i32
        %dma_wait3A_111 = tpu.memref_slice %arg5[%arg1, %run_scoped3A, %dma_wait3A_108, %dma_wait3A_109, %dma_wait3A_110] : memref<16x2x8x200x16xf32, #tpu.memory_space<vmem_shared>> -> memref<1x1x8x200x16xf32, #tpu.memory_space<vmem_shared>>
        %dma_wait3A_112 = tpu.memref_squeeze %dma_wait3A_111 : memref<1x1x8x200x16xf32, #tpu.memory_space<vmem_shared>> -> memref<8x200x16xf32, #tpu.memory_space<vmem_shared>>
        tpu.wait_dma2 semaphore(%run_scoped3A_92 : memref<!tpu.dma_semaphore, #tpu.memory_space<semaphore_mem>>) src(%dma_wait3A_112 : memref<8x200x16xf32, #tpu.memory_space<vmem_shared>>) dst(%arg6 : memref<8x200x16xf32, #tpu.memory_space<vmem>>)
        tpu.yield
      }) : () -> ()
      %add3A_60 = arith.constant 2 : i32
      %add3A_61 = arith.addi %mul3A_45, %add3A_60 : i32
      %lt3A = arith.constant 64 : i32
      %lt3A_62 = arith.cmpi slt, %add3A_61, %lt3A : i32
      %convert_element_type3A = arith.extui %lt3A_62 : i1 to i32
      %cond3A = arith.constant 0 : i32
      %cond3A_63 = arith.cmpi ne, %convert_element_type3A, %cond3A : i32
      scf.if %cond3A_63 {
        %add3A_92 = arith.constant 2 : i32
        %add3A_93 = arith.addi %mul3A_45, %add3A_92 : i32
        %mul3A_94 = arith.constant 8 : i32
        %mul3A_95 = arith.muli %add3A_93, %mul3A_94 : i32
        %add3A_96 = arith.addi %mul3A_2, %mul3A_95 : i32
        %dma_start3A_97 = arith.constant 0 : i32
        %dma_start3A_98 = arith.constant 0 : i32
        %dma_start3A_99 = tpu.memref_slice %arg8[%dma_start3A_98] : memref<2x!tpu.dma_semaphore, #tpu.memory_space<semaphore_mem>> -> memref<1x!tpu.dma_semaphore, #tpu.memory_space<semaphore_mem>>
        %dma_start3A_100 = tpu.memref_squeeze %dma_start3A_99 : memref<1x!tpu.dma_semaphore, #tpu.memory_space<semaphore_mem>> -> memref<!tpu.dma_semaphore, #tpu.memory_space<semaphore_mem>>
        %dma_start3A_101 = arith.constant 0 : i32
        %dma_start3A_102 = arith.constant 0 : i32
        %dma_start3A_103 = arith.constant 0 : i32
        %dma_start3A_104 = tpu.memref_slice %arg5[%arg1, %dma_start3A_97, %dma_start3A_101, %dma_start3A_102, %dma_start3A_103] : memref<16x2x8x200x16xf32, #tpu.memory_space<vmem_shared>> -> memref<1x1x8x200x16xf32, #tpu.memory_space<vmem_shared>>
        %dma_start3A_105 = tpu.memref_squeeze %dma_start3A_104 : memref<1x1x8x200x16xf32, #tpu.memory_space<vmem_shared>> -> memref<8x200x16xf32, #tpu.memory_space<vmem_shared>>
        %dma_start3A_106 = arith.constant 0 : i32
        %dma_start3A_107 = arith.constant 0 : i32
        %dma_start3A_108 = tpu.memref_slice %arg2[%add3A_96, %dma_start3A_106, %dma_start3A_107] : memref<16384x200x16xf32, #tpu.memory_space<hbm>> -> memref<8x200x16xf32, #tpu.memory_space<hbm>>
        tpu.enqueue_dma source(%dma_start3A_108 : memref<8x200x16xf32, #tpu.memory_space<hbm>>) target(%dma_start3A_105 : memref<8x200x16xf32, #tpu.memory_space<vmem_shared>>) target_semaphore(%dma_start3A_100 : memref<!tpu.dma_semaphore, #tpu.memory_space<semaphore_mem>>)
      } else {
      }
      %mul3A_64 = arith.constant 2 : i32
      %mul3A_65 = arith.muli %mul3A_64, %scan3A_42 : i32
      %add3A_66 = arith.constant 1 : i32
      %add3A_67 = arith.addi %mul3A_65, %add3A_66 : i32
      %mul3A_68 = arith.constant 8 : i32
      %mul3A_69 = arith.muli %add3A_67, %mul3A_68 : i32
      %add3A_70 = arith.addi %mul3A_2, %mul3A_69 : i32
      %dma_wait3A_71 = arith.constant 1 : i32
      %dma_wait3A_72 = arith.constant 1 : i32
      %dma_wait3A_73 = tpu.memref_slice %arg8[%dma_wait3A_72] : memref<2x!tpu.dma_semaphore, #tpu.memory_space<semaphore_mem>> -> memref<1x!tpu.dma_semaphore, #tpu.memory_space<semaphore_mem>>
      %dma_wait3A_74 = tpu.memref_squeeze %dma_wait3A_73 : memref<1x!tpu.dma_semaphore, #tpu.memory_space<semaphore_mem>> -> memref<!tpu.dma_semaphore, #tpu.memory_space<semaphore_mem>>
      %dma_wait3A_75 = arith.constant 0 : i32
      %dma_wait3A_76 = arith.constant 0 : i32
      %dma_wait3A_77 = arith.constant 0 : i32
      %dma_wait3A_78 = tpu.memref_slice %arg5[%arg1, %dma_wait3A_71, %dma_wait3A_75, %dma_wait3A_76, %dma_wait3A_77] : memref<16x2x8x200x16xf32, #tpu.memory_space<vmem_shared>> -> memref<1x1x8x200x16xf32, #tpu.memory_space<vmem_shared>>
      %dma_wait3A_79 = tpu.memref_squeeze %dma_wait3A_78 : memref<1x1x8x200x16xf32, #tpu.memory_space<vmem_shared>> -> memref<8x200x16xf32, #tpu.memory_space<vmem_shared>>
      %dma_wait3A_80 = arith.constant 0 : i32
      %dma_wait3A_81 = arith.constant 0 : i32
      %dma_wait3A_82 = tpu.memref_slice %arg2[%add3A_70, %dma_wait3A_80, %dma_wait3A_81] : memref<16384x200x16xf32, #tpu.memory_space<hbm>> -> memref<8x200x16xf32, #tpu.memory_space<hbm>>
      tpu.wait_dma2 semaphore(%dma_wait3A_74 : memref<!tpu.dma_semaphore, #tpu.memory_space<semaphore_mem>>) src(%dma_wait3A_82 : memref<8x200x16xf32, #tpu.memory_space<hbm>>) dst(%dma_wait3A_79 : memref<8x200x16xf32, #tpu.memory_space<vmem_shared>>)
      %run_scoped3A_83 = arith.constant 1 : i32
      "tpu.region"() ({
        %run_scoped3A_92 = tpu.sem_alloc : memref<!tpu.dma_semaphore, #tpu.memory_space<semaphore_mem>>
        %dma_start3A_93 = arith.constant 0 : i32
        %dma_start3A_94 = arith.constant 0 : i32
        %dma_start3A_95 = arith.constant 0 : i32
        %dma_start3A_96 = tpu.memref_slice %arg5[%arg1, %run_scoped3A_83, %dma_start3A_93, %dma_start3A_94, %dma_start3A_95] : memref<16x2x8x200x16xf32, #tpu.memory_space<vmem_shared>> -> memref<1x1x8x200x16xf32, #tpu.memory_space<vmem_shared>>
        %dma_start3A_97 = tpu.memref_squeeze %dma_start3A_96 : memref<1x1x8x200x16xf32, #tpu.memory_space<vmem_shared>> -> memref<8x200x16xf32, #tpu.memory_space<vmem_shared>>
        %dma_start3A_98 = arith.constant 0 : i32
        %dma_start3A_99 = arith.constant 0 : i32
        %dma_start3A_100 = arith.constant 0 : i32
        %dma_start3A_101 = tpu.memref_slice %arg5[%arg1, %run_scoped3A_83, %dma_start3A_98, %dma_start3A_99, %dma_start3A_100] : memref<16x2x8x200x16xf32, #tpu.memory_space<vmem_shared>> -> memref<1x1x8x200x16xf32, #tpu.memory_space<vmem_shared>>
        %dma_start3A_102 = tpu.memref_squeeze %dma_start3A_101 : memref<1x1x8x200x16xf32, #tpu.memory_space<vmem_shared>> -> memref<8x200x16xf32, #tpu.memory_space<vmem_shared>>
        tpu.enqueue_dma source(%dma_start3A_102 : memref<8x200x16xf32, #tpu.memory_space<vmem_shared>>) target(%arg6 : memref<8x200x16xf32, #tpu.memory_space<vmem>>) target_semaphore(%run_scoped3A_92 : memref<!tpu.dma_semaphore, #tpu.memory_space<semaphore_mem>>)
        %dma_wait3A_103 = arith.constant 0 : i32
        %dma_wait3A_104 = arith.constant 0 : i32
        %dma_wait3A_105 = arith.constant 0 : i32
        %dma_wait3A_106 = tpu.memref_slice %arg5[%arg1, %run_scoped3A_83, %dma_wait3A_103, %dma_wait3A_104, %dma_wait3A_105] : memref<16x2x8x200x16xf32, #tpu.memory_space<vmem_shared>> -> memref<1x1x8x200x16xf32, #tpu.memory_space<vmem_shared>>
        %dma_wait3A_107 = tpu.memref_squeeze %dma_wait3A_106 : memref<1x1x8x200x16xf32, #tpu.memory_space<vmem_shared>> -> memref<8x200x16xf32, #tpu.memory_space<vmem_shared>>
        %dma_wait3A_108 = arith.constant 0 : i32
        %dma_wait3A_109 = arith.constant 0 : i32
        %dma_wait3A_110 = arith.constant 0 : i32
        %dma_wait3A_111 = tpu.memref_slice %arg5[%arg1, %run_scoped3A_83, %dma_wait3A_108, %dma_wait3A_109, %dma_wait3A_110] : memref<16x2x8x200x16xf32, #tpu.memory_space<vmem_shared>> -> memref<1x1x8x200x16xf32, #tpu.memory_space<vmem_shared>>
        %dma_wait3A_112 = tpu.memref_squeeze %dma_wait3A_111 : memref<1x1x8x200x16xf32, #tpu.memory_space<vmem_shared>> -> memref<8x200x16xf32, #tpu.memory_space<vmem_shared>>
        tpu.wait_dma2 semaphore(%run_scoped3A_92 : memref<!tpu.dma_semaphore, #tpu.memory_space<semaphore_mem>>) src(%dma_wait3A_112 : memref<8x200x16xf32, #tpu.memory_space<vmem_shared>>) dst(%arg6 : memref<8x200x16xf32, #tpu.memory_space<vmem>>)
        tpu.yield
      }) : () -> ()
      %add3A_84 = arith.constant 2 : i32
      %add3A_85 = arith.addi %add3A_67, %add3A_84 : i32
      %lt3A_86 = arith.constant 64 : i32
      %lt3A_87 = arith.cmpi slt, %add3A_85, %lt3A_86 : i32
      %convert_element_type3A_88 = arith.extui %lt3A_87 : i1 to i32
      %cond3A_89 = arith.constant 0 : i32
      %cond3A_90 = arith.cmpi ne, %convert_element_type3A_88, %cond3A_89 : i32
      scf.if %cond3A_90 {
        %add3A_92 = arith.constant 2 : i32
        %add3A_93 = arith.addi %add3A_67, %add3A_92 : i32
        %mul3A_94 = arith.constant 8 : i32
        %mul3A_95 = arith.muli %add3A_93, %mul3A_94 : i32
        %add3A_96 = arith.addi %mul3A_2, %mul3A_95 : i32
        %dma_start3A_97 = arith.constant 1 : i32
        %dma_start3A_98 = arith.constant 1 : i32
        %dma_start3A_99 = tpu.memref_slice %arg8[%dma_start3A_98] : memref<2x!tpu.dma_semaphore, #tpu.memory_space<semaphore_mem>> -> memref<1x!tpu.dma_semaphore, #tpu.memory_space<semaphore_mem>>
        %dma_start3A_100 = tpu.memref_squeeze %dma_start3A_99 : memref<1x!tpu.dma_semaphore, #tpu.memory_space<semaphore_mem>> -> memref<!tpu.dma_semaphore, #tpu.memory_space<semaphore_mem>>
        %dma_start3A_101 = arith.constant 0 : i32
        %dma_start3A_102 = arith.constant 0 : i32
        %dma_start3A_103 = arith.constant 0 : i32
        %dma_start3A_104 = tpu.memref_slice %arg5[%arg1, %dma_start3A_97, %dma_start3A_101, %dma_start3A_102, %dma_start3A_103] : memref<16x2x8x200x16xf32, #tpu.memory_space<vmem_shared>> -> memref<1x1x8x200x16xf32, #tpu.memory_space<vmem_shared>>
        %dma_start3A_105 = tpu.memref_squeeze %dma_start3A_104 : memref<1x1x8x200x16xf32, #tpu.memory_space<vmem_shared>> -> memref<8x200x16xf32, #tpu.memory_space<vmem_shared>>
        %dma_start3A_106 = arith.constant 0 : i32
        %dma_start3A_107 = arith.constant 0 : i32
        %dma_start3A_108 = tpu.memref_slice %arg2[%add3A_96, %dma_start3A_106, %dma_start3A_107] : memref<16384x200x16xf32, #tpu.memory_space<hbm>> -> memref<8x200x16xf32, #tpu.memory_space<hbm>>
        tpu.enqueue_dma source(%dma_start3A_108 : memref<8x200x16xf32, #tpu.memory_space<hbm>>) target(%dma_start3A_105 : memref<8x200x16xf32, #tpu.memory_space<vmem_shared>>) target_semaphore(%dma_start3A_100 : memref<!tpu.dma_semaphore, #tpu.memory_space<semaphore_mem>>)
      } else {
      }
      %scan3A_91 = arith.constant 0 : i32
      scf.yield %scan3A_91 : i32
    }
    %scan3A_35 = arith.constant 32 : i32
    %get3A = arith.constant 0 : i32
    %get3A_36 = arith.constant 0 : i32
    %get3A_37 = arith.index_cast %get3A : i32 to index
    %get3A_38 = arith.index_cast %get3A_36 : i32 to index
    %get3A_39 = arith.constant 0 : index
    %get3A_40 = tpu.vector_load %arg6[%get3A_37, %get3A_38, %get3A_39] {strides = array<i32>} : memref<8x200x16xf32, #tpu.memory_space<vmem>>, vector<16xf32>,
    %swap3A = arith.constant 0 : index
    %swap3A_41 = tpu.vector_load %arg7[%swap3A] {strides = array<i32>} : memref<16xf32, #tpu.memory_space<vmem>>, vector<16xf32>,
    tpu.vector_store %arg7[%swap3A], %get3A_40 {strides = array<i32>} : memref<16xf32, #tpu.memory_space<vmem>>, vector<16xf32>,
    "tpu.region"() ({
      %run_scoped3A = tpu.sem_alloc : memref<!tpu.dma_semaphore, #tpu.memory_space<semaphore_mem>>
      %dma_start3A_42 = arith.constant 0 : i32
      %dma_start3A_43 = tpu.memref_slice %arg4[%add3A, %dma_start3A_42] : memref<16384x16xf32, #tpu.memory_space<hbm>> -> memref<1x16xf32, #tpu.memory_space<hbm>>
      %dma_start3A_44 = tpu.memref_squeeze %dma_start3A_43 : memref<1x16xf32, #tpu.memory_space<hbm>> -> memref<16xf32, #tpu.memory_space<hbm>>
      %dma_start3A_45 = arith.constant 0 : i32
      %dma_start3A_46 = tpu.memref_slice %arg4[%add3A, %dma_start3A_45] : memref<16384x16xf32, #tpu.memory_space<hbm>> -> memref<1x16xf32, #tpu.memory_space<hbm>>
      %dma_start3A_47 = tpu.memref_squeeze %dma_start3A_46 : memref<1x16xf32, #tpu.memory_space<hbm>> -> memref<16xf32, #tpu.memory_space<hbm>>
      tpu.enqueue_dma source(%arg7 : memref<16xf32, #tpu.memory_space<vmem>>) target(%dma_start3A_47 : memref<16xf32, #tpu.memory_space<hbm>>) target_semaphore(%run_scoped3A : memref<!tpu.dma_semaphore, #tpu.memory_space<semaphore_mem>>)
      %dma_wait3A = arith.constant 0 : i32
      %dma_wait3A_48 = tpu.memref_slice %arg4[%add3A, %dma_wait3A] : memref<16384x16xf32, #tpu.memory_space<hbm>> -> memref<1x16xf32, #tpu.memory_space<hbm>>
      %dma_wait3A_49 = tpu.memref_squeeze %dma_wait3A_48 : memref<1x16xf32, #tpu.memory_space<hbm>> -> memref<16xf32, #tpu.memory_space<hbm>>
      %dma_wait3A_50 = arith.constant 0 : i32
      %dma_wait3A_51 = tpu.memref_slice %arg4[%add3A, %dma_wait3A_50] : memref<16384x16xf32, #tpu.memory_space<hbm>> -> memref<1x16xf32, #tpu.memory_space<hbm>>
      %dma_wait3A_52 = tpu.memref_squeeze %dma_wait3A_51 : memref<1x16xf32, #tpu.memory_space<hbm>> -> memref<16xf32, #tpu.memory_space<hbm>>
      tpu.wait_dma2 semaphore(%run_scoped3A : memref<!tpu.dma_semaphore, #tpu.memory_space<semaphore_mem>>) src(%arg7 : memref<16xf32, #tpu.memory_space<vmem>>) dst(%dma_wait3A_52 : memref<16xf32, #tpu.memory_space<hbm>>)
      tpu.yield
    }) : () -> ()
    return
  }
}

</mosaic_0001>

<sc_bundles>
// kernel: _run.3.cloned.1.call-start
scs
__scs_entry_jumppad:
0x0: {  	(pc) =	sbr.rel $0x88, $3  }
0x1: {  	(tag) =	ssettag $0x0;
	lr =	simm.s32 $0x1  }
0x2: {  	[smem:$0x3F9F] =	sst lr;
	_ =	strace $0xD0000000  }
0x3: {  	_ = 	snop  }
0x4: {  	_ = 	snop  }
0x5: {  	_ = 	snop  }
0x6: {  	_ = 	snop  }
0x7: {  	_ = 	snop  }
__scs_overlays_trampoline_lowered:
0x8: {  	[smem:$0x3FAE] =	sst s0  }
0x9: {  	[smem:$0x3FAF] =	sst s1  }
0xa: {  	[smem:$0x3FB0] =	sst s2  }
0xb: {  	[smem:$0x3FB1] =	sst s3  }
0xc: {  	[smem:$0x3FB2] =	sst s4  }
0xd: {  	[smem:$0x3FB3] =	sst s5  }
0xe: {  	[smem:$0x3FB4] =	sst s6  }
0xf: {  	[smem:$0x3FB5] =	sst s7  }
0x10: {  	[smem:$0x3FB6] =	sst s8  }
0x11: {  	[smem:$0x3FB7] =	sst s9;
	s0 =	simm.s32 @!p0 $0x0  }
0x12: {  	s1 =	sld [smem:$0x3F9D];
	s0 =	simm.s32 @p0 $0x1  }
0x13: {  	[smem:$0x3FB8] =	sst s0;
	s0 =	simm.s32 @!p1 $0x0  }
0x14: {  	s2 =	sld [smem:$0x3F9C];
	s0 =	simm.s32 @p1 $0x1  }
0x15: {  	[smem:$0x3FB9] =	sst s0;
	s0 =	simm.s32 @!p2 $0x0  }
0x16: {  	s3 =	sld [smem:$0x3FDB];
	s0 =	simm.s32 @p2 $0x1  }
0x17: {  	s4 =	simm.s32 $0x1BF5;
	[smem:$0x3FBB] =	sst s0  }
0x18: {  	s0 =	sld [smem:$0x3F9E];
	_ =	swait.ge [sflag:s4], $0x0  }
0x19: {  	s7 =	sld [smem:$0x3F9F]  }
0x1a: {  	s8 =	sadd.s32 $0xFFFFE003, lr  }
0x1b: {  	s9 =	sadd.s32 $0xFFFFFEF7, lr;
	s5 =	simm.s32 $0xFFFFFFFF;
	p2 =	slt.u32 s8, $0xFFFFF086  }
0x1c: {  	p1 =	slt.u32 s9, $0xF7A;
	s5 =	simm.s32 @!p2 $0x0  }
0x1d: {  	s5 =	simm.s32 @p1 $0x1;
	p0 =	seq.s32 s7, s2  }
0x1e: {  	s7 =	smul.u32 @!p0 $0xF7A, s2;
	p2 =	seq.s32 @!p0 s5, $0x0  }
0x1f: {  	s9 =	smul.u32 $0xF7A, s1;
	s8 =	simm.s32 @!p0 $0x1BF5;
	p2 =	por !p2, p0  }
0x20: {  	[sflag:s8] =	ssyncset.s32 @!p0 $0xFFFFF086;
	s6 =	sadd.s32 @!p0 s3, s7;
	s7 =	simm.s32 @!p0 $0x108  }
0x21: {  	s3 =	sadd.s32 s3, s9;
	s6 =	sadd.s32 @!p0 $0x88, s6;
	s7 =	simm.s32 @p2 $0x1082  }
0x22: {  	[simem:s7], [sflag:s8] =	dma.local @!p0 [hbm:s6], $0xF7A  }
0x23: {  	s9 =	sor.u32 $0xD0000000, s2;
	s6 =	simm.s32 $0x108;
	_ =	swait.ge @!p0 [sflag:s8], $0x0  }
0x24: {  	s3 =	sadd.s32 $0x88, s3;
	s6 =	simm.s32 @!p1 $0x1082;
	[sflag:s4] =	ssyncset.s32 $0xFFFFF086  }
0x25: {  	[simem:s6], [sflag:s4] =	dma.local [hbm:s3], $0xF7A  }
0x26: {  	[smem:$0x3F9F] =	sst s1;
	(tag) =	ssettag s2;
	_ =	strace s9  }
0x27: {  	s1 =	sld [smem:$0x3FAF]  }
0x28: {  	s2 =	sld [smem:$0x3FB0]  }
0x29: {  	s4 =	sld [smem:$0x3FB2]  }
0x2a: {  	p0 =	seq.s32 s5, $0x0;
	s5 =	sld [smem:$0x3FB3]  }
0x2b: {  	s6 =	sld [smem:$0x3FB4]  }
0x2c: {  	s7 =	sld [smem:$0x3FB5]  }
0x2d: {  	s3 =	simm.s32 $0x108;
	s8 =	sld [smem:$0x3FB6]  }
0x2e: {  	s3 =	simm.s32 @!p0 $0x1082;
	s9 =	sld [smem:$0x3FB7]  }
0x2f: {  	lr =	sadd.s32 s0, s3;
	s0 =	sld [smem:$0x3FAE]  }
0x30: {  	s3 =	sld [smem:$0x3FB1]  }
0x31: {  	[smem:$0x3FBA] =	sst s10  }
0x32: {  	s10 =	sld [smem:$0x3FB8];
	_ =	sdelay $0x3  }
0x33: {  	p0 =	seq.s32 s10, $0x1;
	s10 =	sld [smem:$0x3FBA];
	_ =	sdelay $0x3  }
0x34: {  	[smem:$0x3FBA] =	sst s10  }
0x35: {  	s10 =	sld [smem:$0x3FB9];
	_ =	sdelay $0x3  }
0x36: {  	p1 =	seq.s32 s10, $0x1;
	s10 =	sld [smem:$0x3FBA];
	_ =	sdelay $0x3  }
0x37: {  	[smem:$0x3FBA] =	sst s10  }
0x38: {  	s10 =	sld [smem:$0x3FBB]  }
0x39: {  	_ = 	snop;
	(pc) =	sbr.ind lr, $3  }
0x3a: {  	_ = 	snop  }
0x3b: {  	_ = 	snop  }
0x3c: {  	p2 =	seq.s32 s10, $0x1;
	s10 =	sld [smem:$0x3FBA]  }
0x3d: {  	_ =	shalt  }
0x3e: {  	_ =	shalt  }
0x3f: {  	_ =	shalt  }
0x40: {  	_ =	shalt  }
0x41: {  	_ =	shalt  }
0x42: {  	_ =	shalt  }
0x43: {  	_ =	shalt  }
0x44: {  	_ =	shalt  }
0x45: {  	_ =	shalt  }
0x46: {  	_ =	shalt  }
0x47: {  	_ =	shalt  }
0x48: {  	_ =	shalt  }
0x49: {  	_ =	shalt  }
0x4a: {  	_ =	shalt  }
0x4b: {  	_ =	shalt  }
0x4c: {  	_ =	shalt  }
0x4d: {  	_ =	shalt  }
0x4e: {  	_ =	shalt  }
0x4f: {  	_ =	shalt  }
0x50: {  	_ =	shalt  }
0x51: {  	_ =	shalt  }
0x52: {  	_ =	shalt  }
0x53: {  	_ =	shalt  }
0x54: {  	_ =	shalt  }
0x55: {  	_ =	shalt  }
0x56: {  	_ =	shalt  }
0x57: {  	_ =	shalt  }
0x58: {  	_ =	shalt  }
0x59: {  	_ =	shalt  }
0x5a: {  	_ =	shalt  }
0x5b: {  	_ =	shalt  }
0x5c: {  	_ =	shalt  }
0x5d: {  	_ =	shalt  }
0x5e: {  	_ =	shalt  }
0x5f: {  	_ =	shalt  }
0x60: {  	_ =	shalt  }
0x61: {  	_ =	shalt  }
0x62: {  	_ =	shalt  }
0x63: {  	_ =	shalt  }
0x64: {  	_ =	shalt  }
0x65: {  	_ =	shalt  }
0x66: {  	_ =	shalt  }
0x67: {  	_ =	shalt  }
0x68: {  	_ =	shalt  }
0x69: {  	_ =	shalt  }
0x6a: {  	_ =	shalt  }
0x6b: {  	_ =	shalt  }
0x6c: {  	_ =	shalt  }
0x6d: {  	_ =	shalt  }
0x6e: {  	_ =	shalt  }
0x6f: {  	_ =	shalt  }
0x70: {  	_ =	shalt  }
0x71: {  	_ =	shalt  }
0x72: {  	_ =	shalt  }
0x73: {  	_ =	shalt  }
0x74: {  	_ =	shalt  }
0x75: {  	_ =	shalt  }
0x76: {  	_ =	shalt  }
0x77: {  	_ =	shalt  }
0x78: {  	_ =	shalt  }
0x79: {  	_ =	shalt  }
0x7a: {  	_ =	shalt  }
0x7b: {  	_ =	shalt  }
0x7c: {  	_ =	shalt  }
0x7d: {  	_ =	shalt  }
0x7e: {  	_ =	shalt  }
0x7f: {  	_ =	shalt  }
0x80: {  	_ =	shalt  }
0x81: {  	_ =	shalt  }
0x82: {  	_ =	shalt  }
0x83: {  	_ =	shalt  }
0x84: {  	_ =	shalt  }
0x85: {  	_ =	shalt  }
0x86: {  	_ =	shalt  }
0x87: {  	_ =	shalt  }
.Lfunc_end0:
.L_simem_size_0:
called_computation_lowered:
.L_overlay_start_0:
0x88: {  	s2 =	sld [smem:$0x3FD9]  }
0x89: {  	s3 =	sld [smem:$0x3FFE];
	_ =	sdelay $0x1  }
0x8a: {  	s1 =	srdreg.scid  }
0x8b: {  	s0 =	sand.u32 $0x1, s1  }
0x8c: {  	s17 =	sshll.u32 s0, $0xA;
	s2 =	sadd.s32 s3, s2  }
0x8d: {  	s2 =	sadd.s32 s2, s17  }
0x8e: {  	[smem:$0x3FC6] =	sst s2  }
0x8f: {  	_ = 	snop  }
0x90: {  	s2 =	sld [smem:$0x3FD0];
	(tm) =	ssettm $0x1  }
0x91: {  	s18 =	sld [smem:$0x3FFB];
	_ =	sdelay $0x3  }
0x92: {  	_ =	strace s18  }
0x93: {  	s3 =	sld [smem:$0x3FFC];
	_ =	sdelay $0x3  }
0x94: {  	_ =	strace s3  }
0x95: {  	s3 =	sld [smem:$0x3FFD];
	_ =	sdelay $0x3  }
0x96: {  	_ =	strace s3  }
0x97: {  	_ =	strace $0x8FFFFFFF  }
0x98: {  	s19 =	sld [smem:$0x3FDB];
	_ =	sdelay $0x1  }
0x99: {  	s4 =	simm.s32 $_scs_section_size  }
0x9a: {  	s5 =	simm.s32 $_size__tile_overlayer_lowered;
	s6 =	simm.s32 $_tile_overlayer_lowered  }
0x9b: {  	s22 =	simm.s32 $0x1BFF;
	s21 =	sshll.u32 s6, $0x1;
	s3 =	sadd.s32 s4, s19  }
0x9c: {  	s7 =	simm.s32 $0x0;
	s20 =	sshll.u32 s5, $0x1;
	s5 =	sadd.s32 s21, s3  }
0x9d: {  	[timem:s7], [sflag:s22] =	dma.local [hbm:s5], s20  }
0x9e: {  	_ =	swait.ge [sflag:s22], s20  }
0x9f: {  	s4 =	ssub.s32 $0x0, s20;
	[sflag:s22] =	ssyncset.done $0x0  }
0xa0: {  	[sflag:s22] =	ssyncadd.s32 s4;
	_ =	sdelay $0x1  }
0xa1: {  	s23 =	simm.s32 $0x1B8B  }
0xa2: {  	_ =	swait.ge [sflag:s23], $0x1  }
0xa3: {  	[sflag:s23] =	ssyncset.done $0x0  }
0xa4: {  	s25 =	simm.s32 $0x1B8E;
	s24 =	sld [smem:$0x3FFE];
	[sflag:s23] =	ssyncadd.s32 $0xFFFFFFFF  }
0xa5: {  	s26 =	simm.s32 $execute0_lowered;
	[smem:$0x3FD2] =	sst s25  }
0xa6: {  	s5 =	sshll.u32 s26, $0x1;
	_ =	strace $0x80000046;
	[dreg:$0x1] =	wrdreg $0xFFFFFFFF  }
0xa7: {  	s28 =	simm.s32 $_size_execute0_lowered;
	s3 =	sadd.s32 s3, s5;
	[dreg:$0x0] =	wrdreg $0x0  }
0xa8: {  	s5 =	sshll.u32 s28, $0x1;
	[dreg:$0x2] =	wrdreg s3  }
0xa9: {  	[dreg:$0x3] =	wrdreg s5  }
0xaa: {  	[dreg:$0x4] =	wrdreg $0xC0  }
0xab: {  	_ =	task [dreg:s7], $0x5FFFF  }
0xac: {  	[dreg:$0x1] =	wrdreg $0xFFFFFFFF  }
0xad: {  	[dreg:$0x0] =	wrdreg $0x60  }
0xae: {  	[dreg:$0x2] =	wrdreg s24  }
0xaf: {  	[dreg:$0x3] =	wrdreg s2  }
0xb0: {  	[dreg:$0x4] =	wrdreg $0x0  }
0xb1: {  	[dreg:$0x5] =	wrdreg $0x9  }
0xb2: {  	_ =	task.clear_ibuf [dreg:s7], $0x6FFFF;
	_ =	strace $0x90000046  }
0xb3: {  	s29 =	simm.s32 $0x9;
	_ =	strace $0x80000048  }
0xb4: {  	_ =	swait.ge [sflag:s29], $0x1  }
0xb5: {  	[sflag:s29] =	ssyncadd.s32 $0xFFFFFFFF  }
0xb6: {  	_ =	strace $0x90000048  }
0xb7: {  	_ =	sfence  }
0xb8: {  	s30 =	sld [smem:$0x0];
	_ =	sdelay $0x2  }
0xb9: {  	s31 =	sshll.u32 s1, $0xD;
	s1 =	sshrl.u32 s1, $0x2  }
0xba: {  	s3 =	sand.u32 $0x4000, s31;
	s1 =	sadd.s32 s1, s30  }
0xbb: {  	s0 =	sor.u32 s3, s0;
	s1 =	sshll.u32 s1, $0x11  }
0xbc: {  	s0 =	sor.u32 s1, s0  }
0xbd: {  	s0 =	sadd.s32 $0x8F2B, s0  }
0xbe: {  	[sflag:s0] =	ssyncadd.remote.s32 $0x1  }
0xbf: {  	_ =	sfence.sel $0xFFFF  }
0xc0: {  	[dreg:$0x0] =	wrdreg $0xFFFFFFFF;
	(pc) =	sbr.abs _section_cstart, $3  }
0xc1: {  	[dreg:$0x1] =	wrdreg $0xFFFFFFFF  }
0xc2: {  	_ =	task.clear_ibuf [dreg:s7], $0x2FFFF;
	_ =	strace $0x9FFFFFFF  }
0xc3: {  	(tm) =	ssettm $0x7FFFFFFF  }
tec
execute0_lowered:
.L_overlay_start_1:
0x0: {  	(tag) =	ssettag $0x1  }
0x1: {  	s3 =	rddreg [dreg:$0x0]  }
0x2: {  	s8 =	rddreg [dreg:$0x1]  }
0x3: {  	s4 =	rddreg [dreg:$0x2]  }
0x4: {  	s0 =	rddreg [dreg:$0x3];
	s2 =	simm.s32 $0x0  }
0x5: {  	s5 =	srdreg.scid;
	s1 =	stileid.u32;
	s15 =	simm.s32 $0xC800  }
0x6: {  	s16 =	simm.s32 $0x3;
	s17 =	simm.s32 $0x2;
	s18 =	simm.s32 $0x12C00  }
0x7: {  	s19 =	simm.s32 $0x0;
	[smem:$0x7FF] =	sst s2;
	s7 =	sand.u32 $0x1, s5  }
0x8: {  	s29 =	sshll.u32 s1, $0x1;
	s6 =	smul.u32 $0x32000, s1;
	s12 =	sadd.s32 $0x3200600, s3  }
0x9: {  	s13 =	sshll.u32 s1, $0x6;
	s31 =	smul.u32 $0x64000, s1;
	_ =	strace $0x80000047  }
0xa: {  	s9 =	ssub.s32 $0x2, s7;
	s10 =	sor.u32 s7, s29;
	s14 =	smul.u32 $0x32000, s7  }
0xb: {  	s5 =	sor.u32 $0x1C01, s13;
	s30 =	sshrl.u32 s9, $0x1;
	s11 =	smul.u32 $0x32000, s10  }
0xc: {  	s6 =	sshrl.u32 s6, $0x2;
	s10 =	sshll.u32 s10, $0x1;
	s9 =	ssub.s32 s9, s30  }
0xd: {  	s3 =	sadd.s32 s6, s4;
	s8 =	sadd.s32 s8, s10;
	s4 =	sadd.s32 s12, s11  }
0xe: {  	s6 =	sadd.s32 $0x6400, s3;
	s11 =	sadd.s32 s31, s12;
	s9 =	smax.u32 s9, $0x1  }
0xf: {  	s12 =	sor.u32 $0x1C02, s13;
	s7 =	sadd.s32 $0xC80, s4;
	s10 =	sadd.s32 s14, s11  }
0x10: {  	s11 =	sshrl.u32 s3, $0x3;
	s13 =	sshrl.u32 s6, $0x3;
	s14 =	simm.s32 $0x1  }
.LBB2_1:
0x11: {  	[spmem:s11], [sflag:s5] =	dma.local [hbm:s4], $0xC80  }
0x12: {  	[spmem:s13], [sflag:s12] =	dma.local [hbm:s7], $0xC80  }
0x13: {  	_ =	swait.ge [sflag:s14], $0xC80  }
0x14: {  	[sflag:s14] =	ssyncset.done $0x0  }
0x15: {  	[sflag:s14] =	ssyncadd.s32 $0xFFFFF380  }
0x16: {  	[tilespmem:s15], [sflag:$0x3] =	stream.linear.gather [spmem:s3], $0x6400, $0x38;
	[tilespmem:$0x12C10] =	vst v63  }
0x17: {  	_ =	swait.ge [sflag:s16], $0x6400  }
0x18: {  	s21 =	sadd.s32 $0xFFFCF900, s10;
	[sflag:s16] =	ssyncset.done $0x0  }
0x19: {  	s20 =	sadd.s32 $0x32000, s21;
	[sflag:s16] =	ssyncadd.s32 $0xFFFF9C00  }
0x1a: {  	[spmem:s11], [sflag:s5] =	dma.local [hbm:s20], $0xC80  }
0x1b: {  	_ =	swait.ge [sflag:s17], $0xC80  }
0x1c: {  	[sflag:s17] =	ssyncset.done $0x0  }
0x1d: {  	[sflag:s17] =	ssyncadd.s32 $0xFFFFF380  }
0x1e: {  	[tilespmem:s15], [sflag:$0x3] =	stream.linear.gather [spmem:s6], $0x6400, $0x38;
	[tilespmem:$0x12C10] =	vst v63  }
0x1f: {  	_ =	swait.ge [sflag:s16], $0x6400  }
0x20: {  	[sflag:s16] =	ssyncset.done $0x0  }
0x21: {  	s21 =	sadd.s32 $0x32C80, s21;
	s20 =	simm.s32 $0xFFFD1200;
	[sflag:s16] =	ssyncadd.s32 $0xFFFF9C00  }
.LBB2_2:
0x22: {  	[spmem:s13], [sflag:s12] =	dma.local [hbm:s21], $0xC80  }
0x23: {  	s21 =	smov.u32 s20  }
0x24: {  	p0 =	sne.s32 s20, $0xFFFFE700;
	s20 =	sadd.s32 $0x1900, s20;
	_ =	swait.ge [sflag:s14], $0xC80  }
0x25: {  	[sflag:s14] =	ssyncset.done $0x0  }
0x26: {  	[sflag:s14] =	ssyncadd.s32 $0xFFFFF380  }
0x27: {  	[tilespmem:s15], [sflag:$0x3] =	stream.linear.gather [spmem:s3], $0x6400, $0x38;
	[tilespmem:$0x12C10] =	vst v63  }
0x28: {  	_ =	swait.ge [sflag:s16], $0x6400  }
0x29: {  	s21 =	sadd.s32 s21, s10;
	[sflag:s16] =	ssyncset.done $0x0  }
0x2a: {  	s22 =	sadd.s32 $0x32000, s21;
	[sflag:s16] =	ssyncadd.s32 $0xFFFF9C00  }
0x2b: {  	[spmem:s11], [sflag:s5] =	dma.local [hbm:s22], $0xC80  }
0x2c: {  	_ =	swait.ge [sflag:s17], $0xC80  }
0x2d: {  	[sflag:s17] =	ssyncset.done $0x0  }
.Ltmp0:
0x2e: {  	[sflag:s17] =	ssyncadd.s32 $0xFFFFF380;
	(pc) =	sbr.rel @p0 .LBB2_2-.Ltmp0, $4  }
0x2f: {  	[tilespmem:s15], [sflag:$0x3] =	stream.linear.gather [spmem:s6], $0x6400, $0x38;
	[tilespmem:$0x12C10] =	vst v63  }
0x30: {  	_ =	swait.ge [sflag:s16], $0x6400  }
0x31: {  	[sflag:s16] =	ssyncset.done $0x0  }
0x32: {  	s21 =	sadd.s32 $0x32C80, s21;
	[sflag:s16] =	ssyncadd.s32 $0xFFFF9C00  }
0x33: {  	[spmem:s13], [sflag:s12] =	dma.local [hbm:s21], $0xC80  }
0x34: {  	_ =	swait.ge [sflag:s14], $0xC80  }
0x35: {  	[sflag:s14] =	ssyncset.done $0x0  }
0x36: {  	[sflag:s14] =	ssyncadd.s32 $0xFFFFF380  }
0x37: {  	[tilespmem:s15], [sflag:$0x3] =	stream.linear.gather [spmem:s3], $0x6400, $0x38;
	[tilespmem:$0x12C10] =	vst v63  }
0x38: {  	_ =	swait.ge [sflag:s16], $0x6400  }
0x39: {  	[sflag:s16] =	ssyncset.done $0x0  }
0x3a: {  	[sflag:s16] =	ssyncadd.s32 $0xFFFF9C00  }
0x3b: {  	_ =	swait.ge [sflag:s17], $0xC80  }
0x3c: {  	[sflag:s17] =	ssyncset.done $0x0  }
0x3d: {  	[sflag:s17] =	ssyncadd.s32 $0xFFFFF380  }
0x3e: {  	[tilespmem:s15], [sflag:$0x3] =	stream.linear.gather [spmem:s6], $0x6400, $0x38;
	[tilespmem:$0x12C10] =	vst v63  }
0x3f: {  	_ =	swait.ge [sflag:s16], $0x6400  }
0x40: {  	[sflag:s16] =	ssyncset.done $0x0  }
0x41: {  	[sflag:s16] =	ssyncadd.s32 $0xFFFF9C00  }
0x42: {  	v0 =	vld [tilespmem:$0xC800];
	_ =	sdelay $0x2  }
0x43: {  	s19 =	sadd.s32 $0x1, s19  }
0x44: {  	p0 =	sne.s32 s19, s9  }
.Ltmp1:
0x45: {  	[tilespmem:$0x12C00] =	vst v0;
	(pc) =	sbr.rel @p0 .LBB2_1-.Ltmp1, $4  }
0x46: {  	[hbm4b:s8+s2] =	stream.linear.scatter [tilespmem:s18], [sflag:$0x3], $0x10, $0x38;
	[tilespmem:$0x12C10] =	vst v63  }
0x47: {  	_ =	swait.ge [sflag:s16], $0x10  }
0x48: {  	[sflag:s16] =	ssyncset.done $0x0  }
0x49: {  	[sflag:s16] =	ssyncadd.s32 $0xFFFFFFF0  }
0x4a: {  	_ =	sfence.sel $0x180000  }
0x4b: {  	[bflag:$0x0] =	sbarrier.arrive $0xFFFF  }
0x4c: {  	p0 =	sne.s32 s1, $0x0;
	_ =	strace $0x90000047  }
0x4d: {  	s0 =	sadd.s32 @!p0 $0x100000, s0;
	[bflag:$0x2] =	sbarrier.arrive $0xFFFF  }
0x4e: {  	[sflag:s0] =	ssyncadd.tile.s32 @!p0 $0x1;
	_ =	shalt  }
.Lfunc_end2:
_tile_overlayer_lowered:
.L_overlay_start_2:
0x4f: {  	(tag) =	ssettag $0x2  }
0x50: {  	s0 =	rddreg [dreg:$0x0];
	s2 =	stileid.u32  }
0x51: {  	s1 =	rddreg [dreg:$0x1];
	p0 =	sne.s32 s2, $0x0  }
0x52: {  	s3 =	rddreg [dreg:$0x2];
	[bflag:$0x3] =	sbarrier.arrive $0xFFFF;
	s2 =	simm.s32 @!p0 $0x1C03  }
0x53: {  	[timem:s3], [sflag:s2] =	dma.local @!p0 [hbm:s0], s1  }
0x54: {  	s0 =	simm.s32 @!p0 $0x3  }
0x55: {  	_ =	swait.ge @!p0 [sflag:s0], s1  }
0x56: {  	s1 =	ssub.s32 @!p0 $0x0, s1;
	[sflag:s0] =	ssyncset.done @!p0 $0x0  }
0x57: {  	[sflag:s0] =	ssyncadd.s32 @!p0 s1  }
0x58: {  	[bflag:$0x3] =	sbarrier.arrive $0xFFFF  }
0x59: {  	_ =	shalt  }

</sc_bundles>
